<compile_context>
chip_gen: v7x
topology: tpu7x:2x2x1
jax: 0.10.2.dev20260603
libtpu: 0.0.44.dev20260713+nightly
codegen_flags: <defaults>
</compile_context>

<pallas_src>
import jax
import jax.numpy as jnp
from jax import lax
from jax.experimental import pallas as pl
from jax.experimental.pallas import tpu as pltpu
from jax.experimental.pallas import tpu_sc as plsc

B = 16384
D = 64
NC = 2
NS = 16
NW = NC * NS
BPW = B // NW
CHUNK = 128
NCHUNK = BPW // CHUNK
NV = 100000


def _concat_body(a_ref, b_ref, out_ref):
    out_ref[...] = jnp.concatenate([a_ref[...], b_ref[...]], axis=1)


RBS = 2000


def _tc_concat(a, b):
    grid = (NV // RBS,)
    spec = pl.BlockSpec((RBS, D), lambda i: (i, 0))
    return pl.pallas_call(
        _concat_body,
        grid=grid,
        in_specs=[spec, spec],
        out_specs=pl.BlockSpec((RBS, 2 * D), lambda i: (i, 0)),
        out_shape=jax.ShapeDtypeStruct((NV, 2 * D), jnp.float32),
    )(a, b)


def _sc_gather_body(ids_hbm, tbl_hbm, out, idx, rows, sem0, sem1, wsem):
    wid = lax.axis_index("s") * NC + lax.axis_index("c")
    base = wid * BPW

    for j in range(NCHUNK):
        pltpu.sync_copy(ids_hbm.at[pl.ds(base + j * CHUNK, CHUNK)], idx.at[j])

    sems = (sem0, sem1)
    n = NCHUNK
    descs = [None] * n
    wd = [None] * n

    descs[0] = pltpu.async_copy(tbl_hbm.at[idx.at[0]], rows.at[0], sems[0])
    for k in range(n):
        buf = k % 2
        if k + 1 < n:
            if k - 1 >= 0:
                wd[k - 1].wait()
            descs[k + 1] = pltpu.async_copy(
                tbl_hbm.at[idx.at[k + 1]], rows.at[1 - buf], sems[1 - buf])
        descs[k].wait()
        wd[k] = pltpu.async_copy(
            rows.at[buf], out.at[pl.ds(base + k * CHUNK, CHUNK)], wsem)
    wd[n - 2].wait()
    wd[n - 1].wait()


@jax.jit
def _sc_gather(ids, tbl):
    mesh = plsc.VectorSubcoreMesh(core_axis_name="c", subcore_axis_name="s")
    f = pl.kernel(
        _sc_gather_body,
        out_type=jax.ShapeDtypeStruct((B, 2 * D), jnp.float32),
        mesh=mesh,
        scratch_types=[
            pltpu.VMEM((NCHUNK, CHUNK), jnp.int32),
            pltpu.VMEM((2, CHUNK, 2 * D), jnp.float32),
            pltpu.SemaphoreType.DMA,
            pltpu.SemaphoreType.DMA,
            pltpu.SemaphoreType.DMA,
        ],
        compiler_params=pltpu.CompilerParams(use_tc_tiling_on_sc=True),
    )
    return f(ids, tbl)


def _mlp_body(xu_ref, xi_ref, w0_ref, b0_ref, w1_ref, b1_ref,
              w2_ref, b2_ref, wp_ref, out_ref):
    xu = xu_ref[...]
    xi = xi_ref[...]
    h = jnp.concatenate([xu[:, :D], xi[:, :D]], axis=1)
    h = jnp.maximum(
        jnp.dot(h, w0_ref[...], preferred_element_type=jnp.float32)
        + b0_ref[...], 0.0)
    h = jnp.maximum(
        jnp.dot(h, w1_ref[...], preferred_element_type=jnp.float32)
        + b1_ref[...], 0.0)
    h = jnp.maximum(
        jnp.dot(h, w2_ref[...], preferred_element_type=jnp.float32)
        + b2_ref[...], 0.0)
    gmf = xu[:, D:] * xi[:, D:]
    out_ref[...] = (
        jnp.dot(gmf, wp_ref[0:D, :], preferred_element_type=jnp.float32)
        + jnp.dot(h, wp_ref[D:2 * D, :], preferred_element_type=jnp.float32))


BM = 2048


def _tc_mlp(xu, xi, W0, b0, W1, b1, W2, b2, Wp, interpret=False):
    grid = (B // BM,)
    row_spec = pl.BlockSpec((BM, 2 * D), lambda i: (i, 0))
    full = lambda shape: pl.BlockSpec(shape, lambda i: tuple(0 for _ in shape))
    return pl.pallas_call(
        _mlp_body,
        grid=grid,
        in_specs=[
            row_spec, row_spec,
            full(W0.shape), full((1, 256)),
            full(W1.shape), full((1, 128)),
            full(W2.shape), full((1, 64)),
            full((128, 1)),
        ],
        out_specs=pl.BlockSpec((BM, 1), lambda i: (i, 0)),
        out_shape=jax.ShapeDtypeStruct((B, 1), jnp.float32),
        interpret=interpret,
    )(xu, xi, W0, b0.reshape(1, -1), W1, b1.reshape(1, -1),
      W2, b2.reshape(1, -1), Wp)


def kernel(user_id, item_id, u_mlp, i_mlp, u_gmf, i_gmf,
           W0, b0, W1, b1, W2, b2, Wp):
    cu = _tc_concat(u_mlp, u_gmf)
    xu = _sc_gather(user_id, cu)
    ci = _tc_concat(i_mlp, i_gmf)
    xi = _sc_gather(item_id, ci)
    return _tc_mlp(xu, xi, W0, b0, W1, b1, W2, b2, Wp).reshape(-1)

# --- scband reference (transcript-rebuilt; emitter-appended) ---
"""Pipeline reference for scband-neu-mf-30133490548753 (READ-ONLY COPY).

The authoritative reference and input builder live on the scoring server;
editing this copy changes nothing except your own understanding.
"""

import jax, jax.numpy as jnp
import numpy as np

NUM_USERS = 100000
NUM_ITEMS = 100000
D = 64
BATCH = 16384
MLP_LAYERS = [256, 128, 64]


def setup_inputs(seed: int = 0) -> dict:
    key = jax.random.key(seed)
    ks = jax.random.split(key, 16)
    user_id = jax.random.randint(ks[0], (BATCH,), 0, NUM_USERS, dtype=jnp.int64 if jax.config.jax_enable_x64 else jnp.int32)
    item_id = jax.random.randint(ks[1], (BATCH,), 0, NUM_ITEMS, dtype=jnp.int64 if jax.config.jax_enable_x64 else jnp.int32)
    u_mlp = jax.random.normal(ks[2], (NUM_USERS, D), dtype=jnp.float32) * 0.01
    i_mlp = jax.random.normal(ks[3], (NUM_ITEMS, D), dtype=jnp.float32) * 0.01
    u_gmf = jax.random.normal(ks[4], (NUM_USERS, D), dtype=jnp.float32) * 0.01
    i_gmf = jax.random.normal(ks[5], (NUM_ITEMS, D), dtype=jnp.float32) * 0.01
    dims = [2 * D] + MLP_LAYERS
    params = {}
    for li in range(len(MLP_LAYERS)):
        fan_in = dims[li]
        # kaiming normal (fan_in, relu)
        std = np.sqrt(2.0 / fan_in)
        params[f"W{li}"] = jax.random.normal(ks[6 + li], (dims[li], dims[li + 1]), dtype=jnp.float32) * std
        params[f"b{li}"] = jnp.zeros((dims[li + 1],), dtype=jnp.float32)
    Wp = jnp.ones((D + MLP_LAYERS[-1], 1), dtype=jnp.float32)
    return {
        "user_id": user_id,
        "item_id": item_id,
        "u_mlp": u_mlp,
        "i_mlp": i_mlp,
        "u_gmf": u_gmf,
        "i_gmf": i_gmf,
        "W0": params["W0"], "b0": params["b0"],
        "W1": params["W1"], "b1": params["b1"],
        "W2": params["W2"], "b2": params["b2"],
        "Wp": Wp,
    }


def reference(user_id, item_id, u_mlp, i_mlp, u_gmf, i_gmf, W0, b0, W1, b1, W2, b2, Wp):
    u_emb_mlp = jnp.take(u_mlp, user_id, axis=0)
    i_emb_mlp = jnp.take(i_mlp, item_id, axis=0)
    u_emb_gmf = jnp.take(u_gmf, user_id, axis=0)
    i_emb_gmf = jnp.take(i_gmf, item_id, axis=0)
    gmf_output = u_emb_gmf * i_emb_gmf
    h = jnp.concatenate([u_emb_mlp, i_emb_mlp], axis=1)
    # MLP: Linear -> ReLU (dropout inactive in eval mode)
    h = jax.nn.relu(h @ W0 + b0)
    h = jax.nn.relu(h @ W1 + b1)
    h = jax.nn.relu(h @ W2 + b2)
    fusion = jnp.concatenate([gmf_output, h], axis=1)
    logits = fusion @ Wp
    return logits.reshape(-1)

if __name__ == "__main__":
    import jax
    _d = setup_inputs()
    print(jax.jit(kernel)(*tuple(_d.values())))

</pallas_src>

<mosaic_0001>
#map = affine_map<(d0, d1) -> (0)>
#map1 = affine_map<(d0, d1) -> (0, 0)>
module attributes {stable_mosaic.version = 14 : i64} {
  func.func @_sc_gather_body(%arg0: i32, %arg1: i32, %arg2: memref<16384xi32, #tpu.memory_space<hbm>>, %arg3: memref<100000x128xf32, #tpu.memory_space<hbm>>, %arg4: memref<16384x128xf32, #tpu.memory_space<hbm>>, %arg5: memref<4x128xi32, #tpu.memory_space<vmem>>, %arg6: memref<2x128x128xf32, #tpu.memory_space<vmem>>, %arg7: memref<!tpu.dma_semaphore, #tpu.memory_space<semaphore_mem>>, %arg8: memref<!tpu.dma_semaphore, #tpu.memory_space<semaphore_mem>>, %arg9: memref<!tpu.dma_semaphore, #tpu.memory_space<semaphore_mem>>) attributes {dimension_semantics = [#tpu.dimension_semantics<core_parallel>, #tpu.dimension_semantics<subcore_parallel>], iteration_bounds = array<i64: 2, 16>, scalar_prefetch = 0 : i64, scratch_operands = 5 : i64, tpu.core_type = #tpu.core_type<sc_vector_subcore>, window_params = [{transform_indices = #map}, {transform_indices = #map1}, {transform_indices = #map1}]} {
    %mul3A = arith.constant 2 : i32
    %mul3A_0 = arith.muli %arg1, %mul3A : i32
    %add3A = arith.addi %mul3A_0, %arg0 : i32
    %mul3A_1 = arith.constant 512 : i32
    %mul3A_2 = arith.muli %add3A, %mul3A_1 : i32
    %add3A_3 = arith.constant 0 : i32
    %add3A_4 = arith.addi %mul3A_2, %add3A_3 : i32
    %run_scoped3A = arith.constant 0 : i32
    "tpu.region"() ({
      %run_scoped3A_220 = tpu.sem_alloc : memref<!tpu.dma_semaphore, #tpu.memory_space<semaphore_mem>>
      %dma_start3A_221 = arith.constant 0 : i32
      %dma_start3A_222 = tpu.memref_slice %arg5[%run_scoped3A, %dma_start3A_221] : memref<4x128xi32, #tpu.memory_space<vmem>> -> memref<1x128xi32, #tpu.memory_space<vmem>>
      %dma_start3A_223 = tpu.memref_squeeze %dma_start3A_222 : memref<1x128xi32, #tpu.memory_space<vmem>> -> memref<128xi32, #tpu.memory_space<vmem>>
      %dma_start3A_224 = tpu.memref_slice %arg2[%add3A_4] : memref<16384xi32, #tpu.memory_space<hbm>> -> memref<128xi32, #tpu.memory_space<hbm>>
      %dma_start3A_225 = arith.constant 0 : i32
      %dma_start3A_226 = tpu.memref_slice %arg5[%run_scoped3A, %dma_start3A_225] : memref<4x128xi32, #tpu.memory_space<vmem>> -> memref<1x128xi32, #tpu.memory_space<vmem>>
      %dma_start3A_227 = tpu.memref_squeeze %dma_start3A_226 : memref<1x128xi32, #tpu.memory_space<vmem>> -> memref<128xi32, #tpu.memory_space<vmem>>
      %dma_start3A_228 = tpu.memref_slice %arg2[%add3A_4] : memref<16384xi32, #tpu.memory_space<hbm>> -> memref<128xi32, #tpu.memory_space<hbm>>
      tpu.enqueue_dma source(%dma_start3A_228 : memref<128xi32, #tpu.memory_space<hbm>>) target(%dma_start3A_227 : memref<128xi32, #tpu.memory_space<vmem>>) target_semaphore(%run_scoped3A_220 : memref<!tpu.dma_semaphore, #tpu.memory_space<semaphore_mem>>)
      %dma_wait3A_229 = arith.constant 0 : i32
      %dma_wait3A_230 = tpu.memref_slice %arg5[%run_scoped3A, %dma_wait3A_229] : memref<4x128xi32, #tpu.memory_space<vmem>> -> memref<1x128xi32, #tpu.memory_space<vmem>>
      %dma_wait3A_231 = tpu.memref_squeeze %dma_wait3A_230 : memref<1x128xi32, #tpu.memory_space<vmem>> -> memref<128xi32, #tpu.memory_space<vmem>>
      %dma_wait3A_232 = tpu.memref_slice %arg2[%add3A_4] : memref<16384xi32, #tpu.memory_space<hbm>> -> memref<128xi32, #tpu.memory_space<hbm>>
      %dma_wait3A_233 = arith.constant 0 : i32
      %dma_wait3A_234 = tpu.memref_slice %arg5[%run_scoped3A, %dma_wait3A_233] : memref<4x128xi32, #tpu.memory_space<vmem>> -> memref<1x128xi32, #tpu.memory_space<vmem>>
      %dma_wait3A_235 = tpu.memref_squeeze %dma_wait3A_234 : memref<1x128xi32, #tpu.memory_space<vmem>> -> memref<128xi32, #tpu.memory_space<vmem>>
      %dma_wait3A_236 = tpu.memref_slice %arg2[%add3A_4] : memref<16384xi32, #tpu.memory_space<hbm>> -> memref<128xi32, #tpu.memory_space<hbm>>
      tpu.wait_dma2 semaphore(%run_scoped3A_220 : memref<!tpu.dma_semaphore, #tpu.memory_space<semaphore_mem>>) src(%dma_wait3A_236 : memref<128xi32, #tpu.memory_space<hbm>>) dst(%dma_wait3A_235 : memref<128xi32, #tpu.memory_space<vmem>>)
      tpu.yield
    }) : () -> ()
    %add3A_5 = arith.constant 128 : i32
    %add3A_6 = arith.addi %mul3A_2, %add3A_5 : i32
    %run_scoped3A_7 = arith.constant 1 : i32
    "tpu.region"() ({
      %run_scoped3A_220 = tpu.sem_alloc : memref<!tpu.dma_semaphore, #tpu.memory_space<semaphore_mem>>
      %dma_start3A_221 = arith.constant 0 : i32
      %dma_start3A_222 = tpu.memref_slice %arg5[%run_scoped3A_7, %dma_start3A_221] : memref<4x128xi32, #tpu.memory_space<vmem>> -> memref<1x128xi32, #tpu.memory_space<vmem>>
      %dma_start3A_223 = tpu.memref_squeeze %dma_start3A_222 : memref<1x128xi32, #tpu.memory_space<vmem>> -> memref<128xi32, #tpu.memory_space<vmem>>
      %dma_start3A_224 = tpu.memref_slice %arg2[%add3A_6] : memref<16384xi32, #tpu.memory_space<hbm>> -> memref<128xi32, #tpu.memory_space<hbm>>
      %dma_start3A_225 = arith.constant 0 : i32
      %dma_start3A_226 = tpu.memref_slice %arg5[%run_scoped3A_7, %dma_start3A_225] : memref<4x128xi32, #tpu.memory_space<vmem>> -> memref<1x128xi32, #tpu.memory_space<vmem>>
      %dma_start3A_227 = tpu.memref_squeeze %dma_start3A_226 : memref<1x128xi32, #tpu.memory_space<vmem>> -> memref<128xi32, #tpu.memory_space<vmem>>
      %dma_start3A_228 = tpu.memref_slice %arg2[%add3A_6] : memref<16384xi32, #tpu.memory_space<hbm>> -> memref<128xi32, #tpu.memory_space<hbm>>
      tpu.enqueue_dma source(%dma_start3A_228 : memref<128xi32, #tpu.memory_space<hbm>>) target(%dma_start3A_227 : memref<128xi32, #tpu.memory_space<vmem>>) target_semaphore(%run_scoped3A_220 : memref<!tpu.dma_semaphore, #tpu.memory_space<semaphore_mem>>)
      %dma_wait3A_229 = arith.constant 0 : i32
      %dma_wait3A_230 = tpu.memref_slice %arg5[%run_scoped3A_7, %dma_wait3A_229] : memref<4x128xi32, #tpu.memory_space<vmem>> -> memref<1x128xi32, #tpu.memory_space<vmem>>
      %dma_wait3A_231 = tpu.memref_squeeze %dma_wait3A_230 : memref<1x128xi32, #tpu.memory_space<vmem>> -> memref<128xi32, #tpu.memory_space<vmem>>
      %dma_wait3A_232 = tpu.memref_slice %arg2[%add3A_6] : memref<16384xi32, #tpu.memory_space<hbm>> -> memref<128xi32, #tpu.memory_space<hbm>>
      %dma_wait3A_233 = arith.constant 0 : i32
      %dma_wait3A_234 = tpu.memref_slice %arg5[%run_scoped3A_7, %dma_wait3A_233] : memref<4x128xi32, #tpu.memory_space<vmem>> -> memref<1x128xi32, #tpu.memory_space<vmem>>
      %dma_wait3A_235 = tpu.memref_squeeze %dma_wait3A_234 : memref<1x128xi32, #tpu.memory_space<vmem>> -> memref<128xi32, #tpu.memory_space<vmem>>
      %dma_wait3A_236 = tpu.memref_slice %arg2[%add3A_6] : memref<16384xi32, #tpu.memory_space<hbm>> -> memref<128xi32, #tpu.memory_space<hbm>>
      tpu.wait_dma2 semaphore(%run_scoped3A_220 : memref<!tpu.dma_semaphore, #tpu.memory_space<semaphore_mem>>) src(%dma_wait3A_236 : memref<128xi32, #tpu.memory_space<hbm>>) dst(%dma_wait3A_235 : memref<128xi32, #tpu.memory_space<vmem>>)
      tpu.yield
    }) : () -> ()
    %add3A_8 = arith.constant 256 : i32
    %add3A_9 = arith.addi %mul3A_2, %add3A_8 : i32
    %run_scoped3A_10 = arith.constant 2 : i32
    "tpu.region"() ({
      %run_scoped3A_220 = tpu.sem_alloc : memref<!tpu.dma_semaphore, #tpu.memory_space<semaphore_mem>>
      %dma_start3A_221 = arith.constant 0 : i32
      %dma_start3A_222 = tpu.memref_slice %arg5[%run_scoped3A_10, %dma_start3A_221] : memref<4x128xi32, #tpu.memory_space<vmem>> -> memref<1x128xi32, #tpu.memory_space<vmem>>
      %dma_start3A_223 = tpu.memref_squeeze %dma_start3A_222 : memref<1x128xi32, #tpu.memory_space<vmem>> -> memref<128xi32, #tpu.memory_space<vmem>>
      %dma_start3A_224 = tpu.memref_slice %arg2[%add3A_9] : memref<16384xi32, #tpu.memory_space<hbm>> -> memref<128xi32, #tpu.memory_space<hbm>>
      %dma_start3A_225 = arith.constant 0 : i32
      %dma_start3A_226 = tpu.memref_slice %arg5[%run_scoped3A_10, %dma_start3A_225] : memref<4x128xi32, #tpu.memory_space<vmem>> -> memref<1x128xi32, #tpu.memory_space<vmem>>
      %dma_start3A_227 = tpu.memref_squeeze %dma_start3A_226 : memref<1x128xi32, #tpu.memory_space<vmem>> -> memref<128xi32, #tpu.memory_space<vmem>>
      %dma_start3A_228 = tpu.memref_slice %arg2[%add3A_9] : memref<16384xi32, #tpu.memory_space<hbm>> -> memref<128xi32, #tpu.memory_space<hbm>>
      tpu.enqueue_dma source(%dma_start3A_228 : memref<128xi32, #tpu.memory_space<hbm>>) target(%dma_start3A_227 : memref<128xi32, #tpu.memory_space<vmem>>) target_semaphore(%run_scoped3A_220 : memref<!tpu.dma_semaphore, #tpu.memory_space<semaphore_mem>>)
      %dma_wait3A_229 = arith.constant 0 : i32
      %dma_wait3A_230 = tpu.memref_slice %arg5[%run_scoped3A_10, %dma_wait3A_229] : memref<4x128xi32, #tpu.memory_space<vmem>> -> memref<1x128xi32, #tpu.memory_space<vmem>>
      %dma_wait3A_231 = tpu.memref_squeeze %dma_wait3A_230 : memref<1x128xi32, #tpu.memory_space<vmem>> -> memref<128xi32, #tpu.memory_space<vmem>>
      %dma_wait3A_232 = tpu.memref_slice %arg2[%add3A_9] : memref<16384xi32, #tpu.memory_space<hbm>> -> memref<128xi32, #tpu.memory_space<hbm>>
      %dma_wait3A_233 = arith.constant 0 : i32
      %dma_wait3A_234 = tpu.memref_slice %arg5[%run_scoped3A_10, %dma_wait3A_233] : memref<4x128xi32, #tpu.memory_space<vmem>> -> memref<1x128xi32, #tpu.memory_space<vmem>>
      %dma_wait3A_235 = tpu.memref_squeeze %dma_wait3A_234 : memref<1x128xi32, #tpu.memory_space<vmem>> -> memref<128xi32, #tpu.memory_space<vmem>>
      %dma_wait3A_236 = tpu.memref_slice %arg2[%add3A_9] : memref<16384xi32, #tpu.memory_space<hbm>> -> memref<128xi32, #tpu.memory_space<hbm>>
      tpu.wait_dma2 semaphore(%run_scoped3A_220 : memref<!tpu.dma_semaphore, #tpu.memory_space<semaphore_mem>>) src(%dma_wait3A_236 : memref<128xi32, #tpu.memory_space<hbm>>) dst(%dma_wait3A_235 : memref<128xi32, #tpu.memory_space<vmem>>)
      tpu.yield
    }) : () -> ()
    %add3A_11 = arith.constant 384 : i32
    %add3A_12 = arith.addi %mul3A_2, %add3A_11 : i32
    %run_scoped3A_13 = arith.constant 3 : i32
    "tpu.region"() ({
      %run_scoped3A_220 = tpu.sem_alloc : memref<!tpu.dma_semaphore, #tpu.memory_space<semaphore_mem>>
      %dma_start3A_221 = arith.constant 0 : i32
      %dma_start3A_222 = tpu.memref_slice %arg5[%run_scoped3A_13, %dma_start3A_221] : memref<4x128xi32, #tpu.memory_space<vmem>> -> memref<1x128xi32, #tpu.memory_space<vmem>>
      %dma_start3A_223 = tpu.memref_squeeze %dma_start3A_222 : memref<1x128xi32, #tpu.memory_space<vmem>> -> memref<128xi32, #tpu.memory_space<vmem>>
      %dma_start3A_224 = tpu.memref_slice %arg2[%add3A_12] : memref<16384xi32, #tpu.memory_space<hbm>> -> memref<128xi32, #tpu.memory_space<hbm>>
      %dma_start3A_225 = arith.constant 0 : i32
      %dma_start3A_226 = tpu.memref_slice %arg5[%run_scoped3A_13, %dma_start3A_225] : memref<4x128xi32, #tpu.memory_space<vmem>> -> memref<1x128xi32, #tpu.memory_space<vmem>>
      %dma_start3A_227 = tpu.memref_squeeze %dma_start3A_226 : memref<1x128xi32, #tpu.memory_space<vmem>> -> memref<128xi32, #tpu.memory_space<vmem>>
      %dma_start3A_228 = tpu.memref_slice %arg2[%add3A_12] : memref<16384xi32, #tpu.memory_space<hbm>> -> memref<128xi32, #tpu.memory_space<hbm>>
      tpu.enqueue_dma source(%dma_start3A_228 : memref<128xi32, #tpu.memory_space<hbm>>) target(%dma_start3A_227 : memref<128xi32, #tpu.memory_space<vmem>>) target_semaphore(%run_scoped3A_220 : memref<!tpu.dma_semaphore, #tpu.memory_space<semaphore_mem>>)
      %dma_wait3A_229 = arith.constant 0 : i32
      %dma_wait3A_230 = tpu.memref_slice %arg5[%run_scoped3A_13, %dma_wait3A_229] : memref<4x128xi32, #tpu.memory_space<vmem>> -> memref<1x128xi32, #tpu.memory_space<vmem>>
      %dma_wait3A_231 = tpu.memref_squeeze %dma_wait3A_230 : memref<1x128xi32, #tpu.memory_space<vmem>> -> memref<128xi32, #tpu.memory_space<vmem>>
      %dma_wait3A_232 = tpu.memref_slice %arg2[%add3A_12] : memref<16384xi32, #tpu.memory_space<hbm>> -> memref<128xi32, #tpu.memory_space<hbm>>
      %dma_wait3A_233 = arith.constant 0 : i32
      %dma_wait3A_234 = tpu.memref_slice %arg5[%run_scoped3A_13, %dma_wait3A_233] : memref<4x128xi32, #tpu.memory_space<vmem>> -> memref<1x128xi32, #tpu.memory_space<vmem>>
      %dma_wait3A_235 = tpu.memref_squeeze %dma_wait3A_234 : memref<1x128xi32, #tpu.memory_space<vmem>> -> memref<128xi32, #tpu.memory_space<vmem>>
      %dma_wait3A_236 = tpu.memref_slice %arg2[%add3A_12] : memref<16384xi32, #tpu.memory_space<hbm>> -> memref<128xi32, #tpu.memory_space<hbm>>
      tpu.wait_dma2 semaphore(%run_scoped3A_220 : memref<!tpu.dma_semaphore, #tpu.memory_space<semaphore_mem>>) src(%dma_wait3A_236 : memref<128xi32, #tpu.memory_space<hbm>>) dst(%dma_wait3A_235 : memref<128xi32, #tpu.memory_space<vmem>>)
      tpu.yield
    }) : () -> ()
    %dma_start3A = arith.constant 0 : i32
    %dma_start3A_14 = arith.constant 0 : i32
    %dma_start3A_15 = arith.constant 0 : i32
    %dma_start3A_16 = arith.constant 0 : i32
    %dma_start3A_17 = tpu.memref_slice %arg6[%dma_start3A_14, %dma_start3A_15, %dma_start3A_16] : memref<2x128x128xf32, #tpu.memory_space<vmem>> -> memref<1x128x128xf32, #tpu.memory_space<vmem>>
    %dma_start3A_18 = tpu.memref_squeeze %dma_start3A_17 : memref<1x128x128xf32, #tpu.memory_space<vmem>> -> memref<128x128xf32, #tpu.memory_space<vmem>>
    %dma_start3A_19 = arith.constant 0 : i32
    %dma_start3A_20 = tpu.memref_slice %arg5[%dma_start3A, %dma_start3A_19] : memref<4x128xi32, #tpu.memory_space<vmem>> -> memref<1x128xi32, #tpu.memory_space<vmem>>
    %dma_start3A_21 = tpu.memref_squeeze %dma_start3A_20 : memref<1x128xi32, #tpu.memory_space<vmem>> -> memref<128xi32, #tpu.memory_space<vmem>>
    %dma_start3A_22 = arith.constant 0 : i32
    %dma_start3A_23 = arith.constant 0 : i32
    %dma_start3A_24 = tpu.memref_slice %arg3[%dma_start3A_22, %dma_start3A_23] : memref<100000x128xf32, #tpu.memory_space<hbm>> -> memref<100000x128xf32, #tpu.memory_space<hbm>>
    tpu.enqueue_indirect_dma source(%dma_start3A_24 : memref<100000x128xf32, #tpu.memory_space<hbm>>) target(%dma_start3A_18 : memref<128x128xf32, #tpu.memory_space<vmem>>) offsets(%dma_start3A_21 : memref<128xi32, #tpu.memory_space<vmem>>) semaphore(%arg7 : memref<!tpu.dma_semaphore, #tpu.memory_space<semaphore_mem>>)
    %dma_start3A_25 = arith.constant 1 : i32
    %dma_start3A_26 = arith.constant 1 : i32
    %dma_start3A_27 = arith.constant 0 : i32
    %dma_start3A_28 = arith.constant 0 : i32
    %dma_start3A_29 = tpu.memref_slice %arg6[%dma_start3A_26, %dma_start3A_27, %dma_start3A_28] : memref<2x128x128xf32, #tpu.memory_space<vmem>> -> memref<1x128x128xf32, #tpu.memory_space<vmem>>
    %dma_start3A_30 = tpu.memref_squeeze %dma_start3A_29 : memref<1x128x128xf32, #tpu.memory_space<vmem>> -> memref<128x128xf32, #tpu.memory_space<vmem>>
    %dma_start3A_31 = arith.constant 0 : i32
    %dma_start3A_32 = tpu.memref_slice %arg5[%dma_start3A_25, %dma_start3A_31] : memref<4x128xi32, #tpu.memory_space<vmem>> -> memref<1x128xi32, #tpu.memory_space<vmem>>
    %dma_start3A_33 = tpu.memref_squeeze %dma_start3A_32 : memref<1x128xi32, #tpu.memory_space<vmem>> -> memref<128xi32, #tpu.memory_space<vmem>>
    %dma_start3A_34 = arith.constant 0 : i32
    %dma_start3A_35 = arith.constant 0 : i32
    %dma_start3A_36 = tpu.memref_slice %arg3[%dma_start3A_34, %dma_start3A_35] : memref<100000x128xf32, #tpu.memory_space<hbm>> -> memref<100000x128xf32, #tpu.memory_space<hbm>>
    tpu.enqueue_indirect_dma source(%dma_start3A_36 : memref<100000x128xf32, #tpu.memory_space<hbm>>) target(%dma_start3A_30 : memref<128x128xf32, #tpu.memory_space<vmem>>) offsets(%dma_start3A_33 : memref<128xi32, #tpu.memory_space<vmem>>) semaphore(%arg8 : memref<!tpu.dma_semaphore, #tpu.memory_space<semaphore_mem>>)
    %dma_wait3A = arith.constant 0 : i32
    %dma_wait3A_37 = arith.constant 0 : i32
    %dma_wait3A_38 = arith.constant 0 : i32
    %dma_wait3A_39 = arith.constant 0 : i32
    %dma_wait3A_40 = tpu.memref_slice %arg6[%dma_wait3A_37, %dma_wait3A_38, %dma_wait3A_39] : memref<2x128x128xf32, #tpu.memory_space<vmem>> -> memref<1x128x128xf32, #tpu.memory_space<vmem>>
    %dma_wait3A_41 = tpu.memref_squeeze %dma_wait3A_40 : memref<1x128x128xf32, #tpu.memory_space<vmem>> -> memref<128x128xf32, #tpu.memory_space<vmem>>
    %dma_wait3A_42 = arith.constant 0 : i32
    %dma_wait3A_43 = tpu.memref_slice %arg5[%dma_wait3A, %dma_wait3A_42] : memref<4x128xi32, #tpu.memory_space<vmem>> -> memref<1x128xi32, #tpu.memory_space<vmem>>
    %dma_wait3A_44 = tpu.memref_squeeze %dma_wait3A_43 : memref<1x128xi32, #tpu.memory_space<vmem>> -> memref<128xi32, #tpu.memory_space<vmem>>
    %dma_wait3A_45 = arith.constant 0 : i32
    %dma_wait3A_46 = arith.constant 0 : i32
    %dma_wait3A_47 = tpu.memref_slice %arg3[%dma_wait3A_45, %dma_wait3A_46] : memref<100000x128xf32, #tpu.memory_space<hbm>> -> memref<100000x128xf32, #tpu.memory_space<hbm>>
    tpu.wait_indirect_dma semaphore(%arg7 : memref<!tpu.dma_semaphore, #tpu.memory_space<semaphore_mem>>) src(%dma_wait3A_47 : memref<100000x128xf32, #tpu.memory_space<hbm>>) dst(%dma_wait3A_41 : memref<128x128xf32, #tpu.memory_space<vmem>>)
    %add3A_48 = arith.constant 0 : i32
    %add3A_49 = arith.addi %mul3A_2, %add3A_48 : i32
    %dma_start3A_50 = arith.constant 0 : i32
    %dma_start3A_51 = arith.constant 0 : i32
    %dma_start3A_52 = arith.constant 0 : i32
    %dma_start3A_53 = tpu.memref_slice %arg6[%dma_start3A_50, %dma_start3A_51, %dma_start3A_52] : memref<2x128x128xf32, #tpu.memory_space<vmem>> -> memref<1x128x128xf32, #tpu.memory_space<vmem>>
    %dma_start3A_54 = tpu.memref_squeeze %dma_start3A_53 : memref<1x128x128xf32, #tpu.memory_space<vmem>> -> memref<128x128xf32, #tpu.memory_space<vmem>>
    %dma_start3A_55 = arith.constant 0 : i32
    %dma_start3A_56 = tpu.memref_slice %arg4[%add3A_49, %dma_start3A_55] : memref<16384x128xf32, #tpu.memory_space<hbm>> -> memref<128x128xf32, #tpu.memory_space<hbm>>
    %dma_start3A_57 = arith.constant 0 : i32
    %dma_start3A_58 = tpu.memref_slice %arg4[%add3A_49, %dma_start3A_57] : memref<16384x128xf32, #tpu.memory_space<hbm>> -> memref<128x128xf32, #tpu.memory_space<hbm>>
    %dma_start3A_59 = arith.constant 0 : i32
    %dma_start3A_60 = arith.constant 0 : i32
    %dma_start3A_61 = tpu.memref_slice %arg6[%dma_start3A_50, %dma_start3A_59, %dma_start3A_60] : memref<2x128x128xf32, #tpu.memory_space<vmem>> -> memref<1x128x128xf32, #tpu.memory_space<vmem>>
    %dma_start3A_62 = tpu.memref_squeeze %dma_start3A_61 : memref<1x128x128xf32, #tpu.memory_space<vmem>> -> memref<128x128xf32, #tpu.memory_space<vmem>>
    tpu.enqueue_dma source(%dma_start3A_62 : memref<128x128xf32, #tpu.memory_space<vmem>>) target(%dma_start3A_58 : memref<128x128xf32, #tpu.memory_space<hbm>>) target_semaphore(%arg9 : memref<!tpu.dma_semaphore, #tpu.memory_space<semaphore_mem>>)
    %dma_wait3A_63 = arith.constant 0 : i32
    %dma_wait3A_64 = arith.constant 0 : i32
    %dma_wait3A_65 = arith.constant 0 : i32
    %dma_wait3A_66 = tpu.memref_slice %arg6[%dma_wait3A_63, %dma_wait3A_64, %dma_wait3A_65] : memref<2x128x128xf32, #tpu.memory_space<vmem>> -> memref<1x128x128xf32, #tpu.memory_space<vmem>>
    %dma_wait3A_67 = tpu.memref_squeeze %dma_wait3A_66 : memref<1x128x128xf32, #tpu.memory_space<vmem>> -> memref<128x128xf32, #tpu.memory_space<vmem>>
    %dma_wait3A_68 = arith.constant 0 : i32
    %dma_wait3A_69 = tpu.memref_slice %arg4[%add3A_49, %dma_wait3A_68] : memref<16384x128xf32, #tpu.memory_space<hbm>> -> memref<128x128xf32, #tpu.memory_space<hbm>>
    %dma_wait3A_70 = arith.constant 0 : i32
    %dma_wait3A_71 = tpu.memref_slice %arg4[%add3A_49, %dma_wait3A_70] : memref<16384x128xf32, #tpu.memory_space<hbm>> -> memref<128x128xf32, #tpu.memory_space<hbm>>
    %dma_wait3A_72 = arith.constant 0 : i32
    %dma_wait3A_73 = arith.constant 0 : i32
    %dma_wait3A_74 = tpu.memref_slice %arg6[%dma_wait3A_63, %dma_wait3A_72, %dma_wait3A_73] : memref<2x128x128xf32, #tpu.memory_space<vmem>> -> memref<1x128x128xf32, #tpu.memory_space<vmem>>
    %dma_wait3A_75 = tpu.memref_squeeze %dma_wait3A_74 : memref<1x128x128xf32, #tpu.memory_space<vmem>> -> memref<128x128xf32, #tpu.memory_space<vmem>>
    tpu.wait_dma2 semaphore(%arg9 : memref<!tpu.dma_semaphore, #tpu.memory_space<semaphore_mem>>) src(%dma_wait3A_75 : memref<128x128xf32, #tpu.memory_space<vmem>>) dst(%dma_wait3A_71 : memref<128x128xf32, #tpu.memory_space<hbm>>)
    %dma_start3A_76 = arith.constant 2 : i32
    %dma_start3A_77 = arith.constant 0 : i32
    %dma_start3A_78 = arith.constant 0 : i32
    %dma_start3A_79 = arith.constant 0 : i32
    %dma_start3A_80 = tpu.memref_slice %arg6[%dma_start3A_77, %dma_start3A_78, %dma_start3A_79] : memref<2x128x128xf32, #tpu.memory_space<vmem>> -> memref<1x128x128xf32, #tpu.memory_space<vmem>>
    %dma_start3A_81 = tpu.memref_squeeze %dma_start3A_80 : memref<1x128x128xf32, #tpu.memory_space<vmem>> -> memref<128x128xf32, #tpu.memory_space<vmem>>
    %dma_start3A_82 = arith.constant 0 : i32
    %dma_start3A_83 = tpu.memref_slice %arg5[%dma_start3A_76, %dma_start3A_82] : memref<4x128xi32, #tpu.memory_space<vmem>> -> memref<1x128xi32, #tpu.memory_space<vmem>>
    %dma_start3A_84 = tpu.memref_squeeze %dma_start3A_83 : memref<1x128xi32, #tpu.memory_space<vmem>> -> memref<128xi32, #tpu.memory_space<vmem>>
    %dma_start3A_85 = arith.constant 0 : i32
    %dma_start3A_86 = arith.constant 0 : i32
    %dma_start3A_87 = tpu.memref_slice %arg3[%dma_start3A_85, %dma_start3A_86] : memref<100000x128xf32, #tpu.memory_space<hbm>> -> memref<100000x128xf32, #tpu.memory_space<hbm>>
    tpu.enqueue_indirect_dma source(%dma_start3A_87 : memref<100000x128xf32, #tpu.memory_space<hbm>>) target(%dma_start3A_81 : memref<128x128xf32, #tpu.memory_space<vmem>>) offsets(%dma_start3A_84 : memref<128xi32, #tpu.memory_space<vmem>>) semaphore(%arg7 : memref<!tpu.dma_semaphore, #tpu.memory_space<semaphore_mem>>)
    %dma_wait3A_88 = arith.constant 1 : i32
    %dma_wait3A_89 = arith.constant 1 : i32
    %dma_wait3A_90 = arith.constant 0 : i32
    %dma_wait3A_91 = arith.constant 0 : i32
    %dma_wait3A_92 = tpu.memref_slice %arg6[%dma_wait3A_89, %dma_wait3A_90, %dma_wait3A_91] : memref<2x128x128xf32, #tpu.memory_space<vmem>> -> memref<1x128x128xf32, #tpu.memory_space<vmem>>
    %dma_wait3A_93 = tpu.memref_squeeze %dma_wait3A_92 : memref<1x128x128xf32, #tpu.memory_space<vmem>> -> memref<128x128xf32, #tpu.memory_space<vmem>>
    %dma_wait3A_94 = arith.constant 0 : i32
    %dma_wait3A_95 = tpu.memref_slice %arg5[%dma_wait3A_88, %dma_wait3A_94] : memref<4x128xi32, #tpu.memory_space<vmem>> -> memref<1x128xi32, #tpu.memory_space<vmem>>
    %dma_wait3A_96 = tpu.memref_squeeze %dma_wait3A_95 : memref<1x128xi32, #tpu.memory_space<vmem>> -> memref<128xi32, #tpu.memory_space<vmem>>
    %dma_wait3A_97 = arith.constant 0 : i32
    %dma_wait3A_98 = arith.constant 0 : i32
    %dma_wait3A_99 = tpu.memref_slice %arg3[%dma_wait3A_97, %dma_wait3A_98] : memref<100000x128xf32, #tpu.memory_space<hbm>> -> memref<100000x128xf32, #tpu.memory_space<hbm>>
    tpu.wait_indirect_dma semaphore(%arg8 : memref<!tpu.dma_semaphore, #tpu.memory_space<semaphore_mem>>) src(%dma_wait3A_99 : memref<100000x128xf32, #tpu.memory_space<hbm>>) dst(%dma_wait3A_93 : memref<128x128xf32, #tpu.memory_space<vmem>>)
    %add3A_100 = arith.constant 128 : i32
    %add3A_101 = arith.addi %mul3A_2, %add3A_100 : i32
    %dma_start3A_102 = arith.constant 1 : i32
    %dma_start3A_103 = arith.constant 0 : i32
    %dma_start3A_104 = arith.constant 0 : i32
    %dma_start3A_105 = tpu.memref_slice %arg6[%dma_start3A_102, %dma_start3A_103, %dma_start3A_104] : memref<2x128x128xf32, #tpu.memory_space<vmem>> -> memref<1x128x128xf32, #tpu.memory_space<vmem>>
    %dma_start3A_106 = tpu.memref_squeeze %dma_start3A_105 : memref<1x128x128xf32, #tpu.memory_space<vmem>> -> memref<128x128xf32, #tpu.memory_space<vmem>>
    %dma_start3A_107 = arith.constant 0 : i32
    %dma_start3A_108 = tpu.memref_slice %arg4[%add3A_101, %dma_start3A_107] : memref<16384x128xf32, #tpu.memory_space<hbm>> -> memref<128x128xf32, #tpu.memory_space<hbm>>
    %dma_start3A_109 = arith.constant 0 : i32
    %dma_start3A_110 = tpu.memref_slice %arg4[%add3A_101, %dma_start3A_109] : memref<16384x128xf32, #tpu.memory_space<hbm>> -> memref<128x128xf32, #tpu.memory_space<hbm>>
    %dma_start3A_111 = arith.constant 0 : i32
    %dma_start3A_112 = arith.constant 0 : i32
    %dma_start3A_113 = tpu.memref_slice %arg6[%dma_start3A_102, %dma_start3A_111, %dma_start3A_112] : memref<2x128x128xf32, #tpu.memory_space<vmem>> -> memref<1x128x128xf32, #tpu.memory_space<vmem>>
    %dma_start3A_114 = tpu.memref_squeeze %dma_start3A_113 : memref<1x128x128xf32, #tpu.memory_space<vmem>> -> memref<128x128xf32, #tpu.memory_space<vmem>>
    tpu.enqueue_dma source(%dma_start3A_114 : memref<128x128xf32, #tpu.memory_space<vmem>>) target(%dma_start3A_110 : memref<128x128xf32, #tpu.memory_space<hbm>>) target_semaphore(%arg9 : memref<!tpu.dma_semaphore, #tpu.memory_space<semaphore_mem>>)
    %dma_wait3A_115 = arith.constant 1 : i32
    %dma_wait3A_116 = arith.constant 0 : i32
    %dma_wait3A_117 = arith.constant 0 : i32
    %dma_wait3A_118 = tpu.memref_slice %arg6[%dma_wait3A_115, %dma_wait3A_116, %dma_wait3A_117] : memref<2x128x128xf32, #tpu.memory_space<vmem>> -> memref<1x128x128xf32, #tpu.memory_space<vmem>>
    %dma_wait3A_119 = tpu.memref_squeeze %dma_wait3A_118 : memref<1x128x128xf32, #tpu.memory_space<vmem>> -> memref<128x128xf32, #tpu.memory_space<vmem>>
    %dma_wait3A_120 = arith.constant 0 : i32
    %dma_wait3A_121 = tpu.memref_slice %arg4[%add3A_101, %dma_wait3A_120] : memref<16384x128xf32, #tpu.memory_space<hbm>> -> memref<128x128xf32, #tpu.memory_space<hbm>>
    %dma_wait3A_122 = arith.constant 0 : i32
    %dma_wait3A_123 = tpu.memref_slice %arg4[%add3A_101, %dma_wait3A_122] : memref<16384x128xf32, #tpu.memory_space<hbm>> -> memref<128x128xf32, #tpu.memory_space<hbm>>
    %dma_wait3A_124 = arith.constant 0 : i32
    %dma_wait3A_125 = arith.constant 0 : i32
    %dma_wait3A_126 = tpu.memref_slice %arg6[%dma_wait3A_115, %dma_wait3A_124, %dma_wait3A_125] : memref<2x128x128xf32, #tpu.memory_space<vmem>> -> memref<1x128x128xf32, #tpu.memory_space<vmem>>
    %dma_wait3A_127 = tpu.memref_squeeze %dma_wait3A_126 : memref<1x128x128xf32, #tpu.memory_space<vmem>> -> memref<128x128xf32, #tpu.memory_space<vmem>>
    tpu.wait_dma2 semaphore(%arg9 : memref<!tpu.dma_semaphore, #tpu.memory_space<semaphore_mem>>) src(%dma_wait3A_127 : memref<128x128xf32, #tpu.memory_space<vmem>>) dst(%dma_wait3A_123 : memref<128x128xf32, #tpu.memory_space<hbm>>)
    %dma_start3A_128 = arith.constant 3 : i32
    %dma_start3A_129 = arith.constant 1 : i32
    %dma_start3A_130 = arith.constant 0 : i32
    %dma_start3A_131 = arith.constant 0 : i32
    %dma_start3A_132 = tpu.memref_slice %arg6[%dma_start3A_129, %dma_start3A_130, %dma_start3A_131] : memref<2x128x128xf32, #tpu.memory_space<vmem>> -> memref<1x128x128xf32, #tpu.memory_space<vmem>>
    %dma_start3A_133 = tpu.memref_squeeze %dma_start3A_132 : memref<1x128x128xf32, #tpu.memory_space<vmem>> -> memref<128x128xf32, #tpu.memory_space<vmem>>
    %dma_start3A_134 = arith.constant 0 : i32
    %dma_start3A_135 = tpu.memref_slice %arg5[%dma_start3A_128, %dma_start3A_134] : memref<4x128xi32, #tpu.memory_space<vmem>> -> memref<1x128xi32, #tpu.memory_space<vmem>>
    %dma_start3A_136 = tpu.memref_squeeze %dma_start3A_135 : memref<1x128xi32, #tpu.memory_space<vmem>> -> memref<128xi32, #tpu.memory_space<vmem>>
    %dma_start3A_137 = arith.constant 0 : i32
    %dma_start3A_138 = arith.constant 0 : i32
    %dma_start3A_139 = tpu.memref_slice %arg3[%dma_start3A_137, %dma_start3A_138] : memref<100000x128xf32, #tpu.memory_space<hbm>> -> memref<100000x128xf32, #tpu.memory_space<hbm>>
    tpu.enqueue_indirect_dma source(%dma_start3A_139 : memref<100000x128xf32, #tpu.memory_space<hbm>>) target(%dma_start3A_133 : memref<128x128xf32, #tpu.memory_space<vmem>>) offsets(%dma_start3A_136 : memref<128xi32, #tpu.memory_space<vmem>>) semaphore(%arg8 : memref<!tpu.dma_semaphore, #tpu.memory_space<semaphore_mem>>)
    %dma_wait3A_140 = arith.constant 2 : i32
    %dma_wait3A_141 = arith.constant 0 : i32
    %dma_wait3A_142 = arith.constant 0 : i32
    %dma_wait3A_143 = arith.constant 0 : i32
    %dma_wait3A_144 = tpu.memref_slice %arg6[%dma_wait3A_141, %dma_wait3A_142, %dma_wait3A_143] : memref<2x128x128xf32, #tpu.memory_space<vmem>> -> memref<1x128x128xf32, #tpu.memory_space<vmem>>
    %dma_wait3A_145 = tpu.memref_squeeze %dma_wait3A_144 : memref<1x128x128xf32, #tpu.memory_space<vmem>> -> memref<128x128xf32, #tpu.memory_space<vmem>>
    %dma_wait3A_146 = arith.constant 0 : i32
    %dma_wait3A_147 = tpu.memref_slice %arg5[%dma_wait3A_140, %dma_wait3A_146] : memref<4x128xi32, #tpu.memory_space<vmem>> -> memref<1x128xi32, #tpu.memory_space<vmem>>
    %dma_wait3A_148 = tpu.memref_squeeze %dma_wait3A_147 : memref<1x128xi32, #tpu.memory_space<vmem>> -> memref<128xi32, #tpu.memory_space<vmem>>
    %dma_wait3A_149 = arith.constant 0 : i32
    %dma_wait3A_150 = arith.constant 0 : i32
    %dma_wait3A_151 = tpu.memref_slice %arg3[%dma_wait3A_149, %dma_wait3A_150] : memref<100000x128xf32, #tpu.memory_space<hbm>> -> memref<100000x128xf32, #tpu.memory_space<hbm>>
    tpu.wait_indirect_dma semaphore(%arg7 : memref<!tpu.dma_semaphore, #tpu.memory_space<semaphore_mem>>) src(%dma_wait3A_151 : memref<100000x128xf32, #tpu.memory_space<hbm>>) dst(%dma_wait3A_145 : memref<128x128xf32, #tpu.memory_space<vmem>>)
    %add3A_152 = arith.constant 256 : i32
    %add3A_153 = arith.addi %mul3A_2, %add3A_152 : i32
    %dma_start3A_154 = arith.constant 0 : i32
    %dma_start3A_155 = arith.constant 0 : i32
    %dma_start3A_156 = arith.constant 0 : i32
    %dma_start3A_157 = tpu.memref_slice %arg6[%dma_start3A_154, %dma_start3A_155, %dma_start3A_156] : memref<2x128x128xf32, #tpu.memory_space<vmem>> -> memref<1x128x128xf32, #tpu.memory_space<vmem>>
    %dma_start3A_158 = tpu.memref_squeeze %dma_start3A_157 : memref<1x128x128xf32, #tpu.memory_space<vmem>> -> memref<128x128xf32, #tpu.memory_space<vmem>>
    %dma_start3A_159 = arith.constant 0 : i32
    %dma_start3A_160 = tpu.memref_slice %arg4[%add3A_153, %dma_start3A_159] : memref<16384x128xf32, #tpu.memory_space<hbm>> -> memref<128x128xf32, #tpu.memory_space<hbm>>
    %dma_start3A_161 = arith.constant 0 : i32
    %dma_start3A_162 = tpu.memref_slice %arg4[%add3A_153, %dma_start3A_161] : memref<16384x128xf32, #tpu.memory_space<hbm>> -> memref<128x128xf32, #tpu.memory_space<hbm>>
    %dma_start3A_163 = arith.constant 0 : i32
    %dma_start3A_164 = arith.constant 0 : i32
    %dma_start3A_165 = tpu.memref_slice %arg6[%dma_start3A_154, %dma_start3A_163, %dma_start3A_164] : memref<2x128x128xf32, #tpu.memory_space<vmem>> -> memref<1x128x128xf32, #tpu.memory_space<vmem>>
    %dma_start3A_166 = tpu.memref_squeeze %dma_start3A_165 : memref<1x128x128xf32, #tpu.memory_space<vmem>> -> memref<128x128xf32, #tpu.memory_space<vmem>>
    tpu.enqueue_dma source(%dma_start3A_166 : memref<128x128xf32, #tpu.memory_space<vmem>>) target(%dma_start3A_162 : memref<128x128xf32, #tpu.memory_space<hbm>>) target_semaphore(%arg9 : memref<!tpu.dma_semaphore, #tpu.memory_space<semaphore_mem>>)
    %dma_wait3A_167 = arith.constant 3 : i32
    %dma_wait3A_168 = arith.constant 1 : i32
    %dma_wait3A_169 = arith.constant 0 : i32
    %dma_wait3A_170 = arith.constant 0 : i32
    %dma_wait3A_171 = tpu.memref_slice %arg6[%dma_wait3A_168, %dma_wait3A_169, %dma_wait3A_170] : memref<2x128x128xf32, #tpu.memory_space<vmem>> -> memref<1x128x128xf32, #tpu.memory_space<vmem>>
    %dma_wait3A_172 = tpu.memref_squeeze %dma_wait3A_171 : memref<1x128x128xf32, #tpu.memory_space<vmem>> -> memref<128x128xf32, #tpu.memory_space<vmem>>
    %dma_wait3A_173 = arith.constant 0 : i32
    %dma_wait3A_174 = tpu.memref_slice %arg5[%dma_wait3A_167, %dma_wait3A_173] : memref<4x128xi32, #tpu.memory_space<vmem>> -> memref<1x128xi32, #tpu.memory_space<vmem>>
    %dma_wait3A_175 = tpu.memref_squeeze %dma_wait3A_174 : memref<1x128xi32, #tpu.memory_space<vmem>> -> memref<128xi32, #tpu.memory_space<vmem>>
    %dma_wait3A_176 = arith.constant 0 : i32
    %dma_wait3A_177 = arith.constant 0 : i32
    %dma_wait3A_178 = tpu.memref_slice %arg3[%dma_wait3A_176, %dma_wait3A_177] : memref<100000x128xf32, #tpu.memory_space<hbm>> -> memref<100000x128xf32, #tpu.memory_space<hbm>>
    tpu.wait_indirect_dma semaphore(%arg8 : memref<!tpu.dma_semaphore, #tpu.memory_space<semaphore_mem>>) src(%dma_wait3A_178 : memref<100000x128xf32, #tpu.memory_space<hbm>>) dst(%dma_wait3A_172 : memref<128x128xf32, #tpu.memory_space<vmem>>)
    %add3A_179 = arith.constant 384 : i32
    %add3A_180 = arith.addi %mul3A_2, %add3A_179 : i32
    %dma_start3A_181 = arith.constant 1 : i32
    %dma_start3A_182 = arith.constant 0 : i32
    %dma_start3A_183 = arith.constant 0 : i32
    %dma_start3A_184 = tpu.memref_slice %arg6[%dma_start3A_181, %dma_start3A_182, %dma_start3A_183] : memref<2x128x128xf32, #tpu.memory_space<vmem>> -> memref<1x128x128xf32, #tpu.memory_space<vmem>>
    %dma_start3A_185 = tpu.memref_squeeze %dma_start3A_184 : memref<1x128x128xf32, #tpu.memory_space<vmem>> -> memref<128x128xf32, #tpu.memory_space<vmem>>
    %dma_start3A_186 = arith.constant 0 : i32
    %dma_start3A_187 = tpu.memref_slice %arg4[%add3A_180, %dma_start3A_186] : memref<16384x128xf32, #tpu.memory_space<hbm>> -> memref<128x128xf32, #tpu.memory_space<hbm>>
    %dma_start3A_188 = arith.constant 0 : i32
    %dma_start3A_189 = tpu.memref_slice %arg4[%add3A_180, %dma_start3A_188] : memref<16384x128xf32, #tpu.memory_space<hbm>> -> memref<128x128xf32, #tpu.memory_space<hbm>>
    %dma_start3A_190 = arith.constant 0 : i32
    %dma_start3A_191 = arith.constant 0 : i32
    %dma_start3A_192 = tpu.memref_slice %arg6[%dma_start3A_181, %dma_start3A_190, %dma_start3A_191] : memref<2x128x128xf32, #tpu.memory_space<vmem>> -> memref<1x128x128xf32, #tpu.memory_space<vmem>>
    %dma_start3A_193 = tpu.memref_squeeze %dma_start3A_192 : memref<1x128x128xf32, #tpu.memory_space<vmem>> -> memref<128x128xf32, #tpu.memory_space<vmem>>
    tpu.enqueue_dma source(%dma_start3A_193 : memref<128x128xf32, #tpu.memory_space<vmem>>) target(%dma_start3A_189 : memref<128x128xf32, #tpu.memory_space<hbm>>) target_semaphore(%arg9 : memref<!tpu.dma_semaphore, #tpu.memory_space<semaphore_mem>>)
    %dma_wait3A_194 = arith.constant 0 : i32
    %dma_wait3A_195 = arith.constant 0 : i32
    %dma_wait3A_196 = arith.constant 0 : i32
    %dma_wait3A_197 = tpu.memref_slice %arg6[%dma_wait3A_194, %dma_wait3A_195, %dma_wait3A_196] : memref<2x128x128xf32, #tpu.memory_space<vmem>> -> memref<1x128x128xf32, #tpu.memory_space<vmem>>
    %dma_wait3A_198 = tpu.memref_squeeze %dma_wait3A_197 : memref<1x128x128xf32, #tpu.memory_space<vmem>> -> memref<128x128xf32, #tpu.memory_space<vmem>>
    %dma_wait3A_199 = arith.constant 0 : i32
    %dma_wait3A_200 = tpu.memref_slice %arg4[%add3A_153, %dma_wait3A_199] : memref<16384x128xf32, #tpu.memory_space<hbm>> -> memref<128x128xf32, #tpu.memory_space<hbm>>
    %dma_wait3A_201 = arith.constant 0 : i32
    %dma_wait3A_202 = tpu.memref_slice %arg4[%add3A_153, %dma_wait3A_201] : memref<16384x128xf32, #tpu.memory_space<hbm>> -> memref<128x128xf32, #tpu.memory_space<hbm>>
    %dma_wait3A_203 = arith.constant 0 : i32
    %dma_wait3A_204 = arith.constant 0 : i32
    %dma_wait3A_205 = tpu.memref_slice %arg6[%dma_wait3A_194, %dma_wait3A_203, %dma_wait3A_204] : memref<2x128x128xf32, #tpu.memory_space<vmem>> -> memref<1x128x128xf32, #tpu.memory_space<vmem>>
    %dma_wait3A_206 = tpu.memref_squeeze %dma_wait3A_205 : memref<1x128x128xf32, #tpu.memory_space<vmem>> -> memref<128x128xf32, #tpu.memory_space<vmem>>
    tpu.wait_dma2 semaphore(%arg9 : memref<!tpu.dma_semaphore, #tpu.memory_space<semaphore_mem>>) src(%dma_wait3A_206 : memref<128x128xf32, #tpu.memory_space<vmem>>) dst(%dma_wait3A_202 : memref<128x128xf32, #tpu.memory_space<hbm>>)
    %dma_wait3A_207 = arith.constant 1 : i32
    %dma_wait3A_208 = arith.constant 0 : i32
    %dma_wait3A_209 = arith.constant 0 : i32
    %dma_wait3A_210 = tpu.memref_slice %arg6[%dma_wait3A_207, %dma_wait3A_208, %dma_wait3A_209] : memref<2x128x128xf32, #tpu.memory_space<vmem>> -> memref<1x128x128xf32, #tpu.memory_space<vmem>>
    %dma_wait3A_211 = tpu.memref_squeeze %dma_wait3A_210 : memref<1x128x128xf32, #tpu.memory_space<vmem>> -> memref<128x128xf32, #tpu.memory_space<vmem>>
    %dma_wait3A_212 = arith.constant 0 : i32
    %dma_wait3A_213 = tpu.memref_slice %arg4[%add3A_180, %dma_wait3A_212] : memref<16384x128xf32, #tpu.memory_space<hbm>> -> memref<128x128xf32, #tpu.memory_space<hbm>>
    %dma_wait3A_214 = arith.constant 0 : i32
    %dma_wait3A_215 = tpu.memref_slice %arg4[%add3A_180, %dma_wait3A_214] : memref<16384x128xf32, #tpu.memory_space<hbm>> -> memref<128x128xf32, #tpu.memory_space<hbm>>
    %dma_wait3A_216 = arith.constant 0 : i32
    %dma_wait3A_217 = arith.constant 0 : i32
    %dma_wait3A_218 = tpu.memref_slice %arg6[%dma_wait3A_207, %dma_wait3A_216, %dma_wait3A_217] : memref<2x128x128xf32, #tpu.memory_space<vmem>> -> memref<1x128x128xf32, #tpu.memory_space<vmem>>
    %dma_wait3A_219 = tpu.memref_squeeze %dma_wait3A_218 : memref<1x128x128xf32, #tpu.memory_space<vmem>> -> memref<128x128xf32, #tpu.memory_space<vmem>>
    tpu.wait_dma2 semaphore(%arg9 : memref<!tpu.dma_semaphore, #tpu.memory_space<semaphore_mem>>) src(%dma_wait3A_219 : memref<128x128xf32, #tpu.memory_space<vmem>>) dst(%dma_wait3A_215 : memref<128x128xf32, #tpu.memory_space<hbm>>)
    return
  }
}

</mosaic_0001>

<sc_bundles>
// kernel: _sc_gather.3.cloned.1.call-start
scs
__scs_entry_jumppad:
0x0: {  	(pc) =	sbr.rel $0x88, $3  }
0x1: {  	(tag) =	ssettag $0x0;
	lr =	simm.s32 $0x1  }
0x2: {  	[smem:$0x3F9F] =	sst lr;
	_ =	strace $0xD0000000  }
0x3: {  	_ = 	snop  }
0x4: {  	_ = 	snop  }
0x5: {  	_ = 	snop  }
0x6: {  	_ = 	snop  }
0x7: {  	_ = 	snop  }
__scs_overlays_trampoline_lowered:
0x8: {  	[smem:$0x3FAE] =	sst s0  }
0x9: {  	[smem:$0x3FAF] =	sst s1  }
0xa: {  	[smem:$0x3FB0] =	sst s2  }
0xb: {  	[smem:$0x3FB1] =	sst s3  }
0xc: {  	[smem:$0x3FB2] =	sst s4  }
0xd: {  	[smem:$0x3FB3] =	sst s5  }
0xe: {  	[smem:$0x3FB4] =	sst s6  }
0xf: {  	[smem:$0x3FB5] =	sst s7  }
0x10: {  	[smem:$0x3FB6] =	sst s8  }
0x11: {  	[smem:$0x3FB7] =	sst s9;
	s0 =	simm.s32 @!p0 $0x0  }
0x12: {  	s1 =	sld [smem:$0x3F9D];
	s0 =	simm.s32 @p0 $0x1  }
0x13: {  	[smem:$0x3FB8] =	sst s0;
	s0 =	simm.s32 @!p1 $0x0  }
0x14: {  	s2 =	sld [smem:$0x3F9C];
	s0 =	simm.s32 @p1 $0x1  }
0x15: {  	[smem:$0x3FB9] =	sst s0;
	s0 =	simm.s32 @!p2 $0x0  }
0x16: {  	s3 =	sld [smem:$0x3FDB];
	s0 =	simm.s32 @p2 $0x1  }
0x17: {  	s4 =	simm.s32 $0x1BF5;
	[smem:$0x3FBB] =	sst s0  }
0x18: {  	s0 =	sld [smem:$0x3F9E];
	_ =	swait.ge [sflag:s4], $0x0  }
0x19: {  	s7 =	sld [smem:$0x3F9F]  }
0x1a: {  	s8 =	sadd.s32 $0xFFFFE003, lr  }
0x1b: {  	s9 =	sadd.s32 $0xFFFFFEF7, lr;
	s5 =	simm.s32 $0xFFFFFFFF;
	p2 =	slt.u32 s8, $0xFFFFF086  }
0x1c: {  	p1 =	slt.u32 s9, $0xF7A;
	s5 =	simm.s32 @!p2 $0x0  }
0x1d: {  	s5 =	simm.s32 @p1 $0x1;
	p0 =	seq.s32 s7, s2  }
0x1e: {  	s7 =	smul.u32 @!p0 $0xF7A, s2;
	p2 =	seq.s32 @!p0 s5, $0x0  }
0x1f: {  	s9 =	smul.u32 $0xF7A, s1;
	s8 =	simm.s32 @!p0 $0x1BF5;
	p2 =	por !p2, p0  }
0x20: {  	[sflag:s8] =	ssyncset.s32 @!p0 $0xFFFFF086;
	s6 =	sadd.s32 @!p0 s3, s7;
	s7 =	simm.s32 @!p0 $0x108  }
0x21: {  	s3 =	sadd.s32 s3, s9;
	s6 =	sadd.s32 @!p0 $0x88, s6;
	s7 =	simm.s32 @p2 $0x1082  }
0x22: {  	[simem:s7], [sflag:s8] =	dma.local @!p0 [hbm:s6], $0xF7A  }
0x23: {  	s9 =	sor.u32 $0xD0000000, s2;
	s6 =	simm.s32 $0x108;
	_ =	swait.ge @!p0 [sflag:s8], $0x0  }
0x24: {  	s3 =	sadd.s32 $0x88, s3;
	s6 =	simm.s32 @!p1 $0x1082;
	[sflag:s4] =	ssyncset.s32 $0xFFFFF086  }
0x25: {  	[simem:s6], [sflag:s4] =	dma.local [hbm:s3], $0xF7A  }
0x26: {  	[smem:$0x3F9F] =	sst s1;
	(tag) =	ssettag s2;
	_ =	strace s9  }
0x27: {  	s1 =	sld [smem:$0x3FAF]  }
0x28: {  	s2 =	sld [smem:$0x3FB0]  }
0x29: {  	s4 =	sld [smem:$0x3FB2]  }
0x2a: {  	p0 =	seq.s32 s5, $0x0;
	s5 =	sld [smem:$0x3FB3]  }
0x2b: {  	s6 =	sld [smem:$0x3FB4]  }
0x2c: {  	s7 =	sld [smem:$0x3FB5]  }
0x2d: {  	s3 =	simm.s32 $0x108;
	s8 =	sld [smem:$0x3FB6]  }
0x2e: {  	s3 =	simm.s32 @!p0 $0x1082;
	s9 =	sld [smem:$0x3FB7]  }
0x2f: {  	lr =	sadd.s32 s0, s3;
	s0 =	sld [smem:$0x3FAE]  }
0x30: {  	s3 =	sld [smem:$0x3FB1]  }
0x31: {  	[smem:$0x3FBA] =	sst s10  }
0x32: {  	s10 =	sld [smem:$0x3FB8];
	_ =	sdelay $0x3  }
0x33: {  	p0 =	seq.s32 s10, $0x1;
	s10 =	sld [smem:$0x3FBA];
	_ =	sdelay $0x3  }
0x34: {  	[smem:$0x3FBA] =	sst s10  }
0x35: {  	s10 =	sld [smem:$0x3FB9];
	_ =	sdelay $0x3  }
0x36: {  	p1 =	seq.s32 s10, $0x1;
	s10 =	sld [smem:$0x3FBA];
	_ =	sdelay $0x3  }
0x37: {  	[smem:$0x3FBA] =	sst s10  }
0x38: {  	s10 =	sld [smem:$0x3FBB]  }
0x39: {  	_ = 	snop;
	(pc) =	sbr.ind lr, $3  }
0x3a: {  	_ = 	snop  }
0x3b: {  	_ = 	snop  }
0x3c: {  	p2 =	seq.s32 s10, $0x1;
	s10 =	sld [smem:$0x3FBA]  }
0x3d: {  	_ =	shalt  }
0x3e: {  	_ =	shalt  }
0x3f: {  	_ =	shalt  }
0x40: {  	_ =	shalt  }
0x41: {  	_ =	shalt  }
0x42: {  	_ =	shalt  }
0x43: {  	_ =	shalt  }
0x44: {  	_ =	shalt  }
0x45: {  	_ =	shalt  }
0x46: {  	_ =	shalt  }
0x47: {  	_ =	shalt  }
0x48: {  	_ =	shalt  }
0x49: {  	_ =	shalt  }
0x4a: {  	_ =	shalt  }
0x4b: {  	_ =	shalt  }
0x4c: {  	_ =	shalt  }
0x4d: {  	_ =	shalt  }
0x4e: {  	_ =	shalt  }
0x4f: {  	_ =	shalt  }
0x50: {  	_ =	shalt  }
0x51: {  	_ =	shalt  }
0x52: {  	_ =	shalt  }
0x53: {  	_ =	shalt  }
0x54: {  	_ =	shalt  }
0x55: {  	_ =	shalt  }
0x56: {  	_ =	shalt  }
0x57: {  	_ =	shalt  }
0x58: {  	_ =	shalt  }
0x59: {  	_ =	shalt  }
0x5a: {  	_ =	shalt  }
0x5b: {  	_ =	shalt  }
0x5c: {  	_ =	shalt  }
0x5d: {  	_ =	shalt  }
0x5e: {  	_ =	shalt  }
0x5f: {  	_ =	shalt  }
0x60: {  	_ =	shalt  }
0x61: {  	_ =	shalt  }
0x62: {  	_ =	shalt  }
0x63: {  	_ =	shalt  }
0x64: {  	_ =	shalt  }
0x65: {  	_ =	shalt  }
0x66: {  	_ =	shalt  }
0x67: {  	_ =	shalt  }
0x68: {  	_ =	shalt  }
0x69: {  	_ =	shalt  }
0x6a: {  	_ =	shalt  }
0x6b: {  	_ =	shalt  }
0x6c: {  	_ =	shalt  }
0x6d: {  	_ =	shalt  }
0x6e: {  	_ =	shalt  }
0x6f: {  	_ =	shalt  }
0x70: {  	_ =	shalt  }
0x71: {  	_ =	shalt  }
0x72: {  	_ =	shalt  }
0x73: {  	_ =	shalt  }
0x74: {  	_ =	shalt  }
0x75: {  	_ =	shalt  }
0x76: {  	_ =	shalt  }
0x77: {  	_ =	shalt  }
0x78: {  	_ =	shalt  }
0x79: {  	_ =	shalt  }
0x7a: {  	_ =	shalt  }
0x7b: {  	_ =	shalt  }
0x7c: {  	_ =	shalt  }
0x7d: {  	_ =	shalt  }
0x7e: {  	_ =	shalt  }
0x7f: {  	_ =	shalt  }
0x80: {  	_ =	shalt  }
0x81: {  	_ =	shalt  }
0x82: {  	_ =	shalt  }
0x83: {  	_ =	shalt  }
0x84: {  	_ =	shalt  }
0x85: {  	_ =	shalt  }
0x86: {  	_ =	shalt  }
0x87: {  	_ =	shalt  }
.Lfunc_end0:
.L_simem_size_0:
called_computation_lowered:
.L_overlay_start_0:
0x88: {  	s2 =	sld [smem:$0x3FD9]  }
0x89: {  	s3 =	sld [smem:$0x3FFE];
	_ =	sdelay $0x1  }
0x8a: {  	s1 =	srdreg.scid  }
0x8b: {  	s0 =	sand.u32 $0x1, s1  }
0x8c: {  	s18 =	sshll.u32 s0, $0xA;
	s2 =	sadd.s32 s3, s2  }
0x8d: {  	s2 =	sadd.s32 s2, s18  }
0x8e: {  	[smem:$0x3FC6] =	sst s2  }
0x8f: {  	_ = 	snop  }
0x90: {  	s2 =	sld [smem:$0x3FC9]  }
0x91: {  	s19 =	sld [smem:$0x3FC8]  }
0x92: {  	s4 =	sld [smem:$0x3FD0];
	(tm) =	ssettm $0x1  }
0x93: {  	s5 =	sld [smem:$0x3FFB];
	_ =	sdelay $0x3  }
0x94: {  	_ =	strace s5  }
0x95: {  	s5 =	sld [smem:$0x3FFC];
	_ =	sdelay $0x3  }
0x96: {  	_ =	strace s5  }
0x97: {  	s5 =	sld [smem:$0x3FFD];
	_ =	sdelay $0x3  }
0x98: {  	_ =	strace s5  }
0x99: {  	_ =	strace $0x8FFFFFFF  }
0x9a: {  	s20 =	sld [smem:$0x3FDB];
	_ =	sdelay $0x1  }
0x9b: {  	s6 =	simm.s32 $_scs_section_size  }
0x9c: {  	s7 =	simm.s32 $_size__tile_overlayer_lowered;
	s8 =	simm.s32 $_tile_overlayer_lowered  }
0x9d: {  	s23 =	simm.s32 $0x1BFF;
	s22 =	sshll.u32 s8, $0x1;
	s5 =	sadd.s32 s6, s20  }
0x9e: {  	s9 =	simm.s32 $0x0;
	s21 =	sshll.u32 s7, $0x1;
	s7 =	sadd.s32 s22, s5  }
0x9f: {  	[timem:s9], [sflag:s23] =	dma.local [hbm:s7], s21  }
0xa0: {  	_ =	swait.ge [sflag:s23], s21  }
0xa1: {  	s6 =	ssub.s32 $0x0, s21;
	[sflag:s23] =	ssyncset.done $0x0  }
0xa2: {  	[sflag:s23] =	ssyncadd.s32 s6;
	_ =	sdelay $0x1  }
0xa3: {  	s24 =	simm.s32 $0x1B8B  }
0xa4: {  	_ =	swait.ge [sflag:s24], $0x1  }
0xa5: {  	[sflag:s24] =	ssyncset.done $0x0  }
0xa6: {  	s25 =	simm.s32 $0x1B8E;
	[sflag:s24] =	ssyncadd.s32 $0xFFFFFFFF  }
0xa7: {  	s26 =	simm.s32 $execute0_lowered;
	[smem:$0x3FD2] =	sst s25  }
0xa8: {  	s6 =	sshll.u32 s26, $0x1;
	_ =	strace $0x80000046;
	[dreg:$0x1] =	wrdreg $0xFFFFFFFF  }
0xa9: {  	s28 =	simm.s32 $_size_execute0_lowered;
	s5 =	sadd.s32 s5, s6;
	[dreg:$0x0] =	wrdreg $0x0  }
0xaa: {  	s6 =	sshll.u32 s28, $0x1;
	[dreg:$0x2] =	wrdreg s5  }
0xab: {  	[dreg:$0x3] =	wrdreg s6  }
0xac: {  	[dreg:$0x4] =	wrdreg $0xC0  }
0xad: {  	_ =	task [dreg:s9], $0x5FFFF  }
0xae: {  	[dreg:$0x1] =	wrdreg $0xFFFFFFFF  }
0xaf: {  	[dreg:$0x0] =	wrdreg $0x60  }
0xb0: {  	[dreg:$0x2] =	wrdreg s2  }
0xb1: {  	[dreg:$0x3] =	wrdreg s19  }
0xb2: {  	[dreg:$0x4] =	wrdreg s4  }
0xb3: {  	[dreg:$0x5] =	wrdreg $0x9  }
0xb4: {  	_ =	task.clear_ibuf [dreg:s9], $0x6FFFF;
	_ =	strace $0x90000046  }
0xb5: {  	s29 =	simm.s32 $0x9;
	_ =	strace $0x80000048  }
0xb6: {  	_ =	swait.ge [sflag:s29], $0x1  }
0xb7: {  	[sflag:s29] =	ssyncadd.s32 $0xFFFFFFFF  }
0xb8: {  	_ =	strace $0x90000048  }
0xb9: {  	_ =	sfence  }
0xba: {  	s30 =	sld [smem:$0x0];
	_ =	sdelay $0x2  }
0xbb: {  	s31 =	sshll.u32 s1, $0xD;
	s1 =	sshrl.u32 s1, $0x2  }
0xbc: {  	s3 =	sand.u32 $0x4000, s31;
	s1 =	sadd.s32 s1, s30  }
0xbd: {  	s0 =	sor.u32 s3, s0;
	s1 =	sshll.u32 s1, $0x11  }
0xbe: {  	s0 =	sor.u32 s1, s0  }
0xbf: {  	s0 =	sadd.s32 $0x8F2B, s0  }
0xc0: {  	[sflag:s0] =	ssyncadd.remote.s32 $0x1  }
0xc1: {  	_ =	sfence.sel $0xFFFF  }
0xc2: {  	[dreg:$0x0] =	wrdreg $0xFFFFFFFF;
	(pc) =	sbr.abs _section_cstart, $3  }
0xc3: {  	[dreg:$0x1] =	wrdreg $0xFFFFFFFF  }
0xc4: {  	_ =	task.clear_ibuf [dreg:s9], $0x2FFFF;
	_ =	strace $0x9FFFFFFF  }
0xc5: {  	(tm) =	ssettm $0x7FFFFFFF  }
tec
execute0_lowered:
.L_overlay_start_1:
0x0: {  	(tag) =	ssettag $0x1  }
0x1: {  	s10 =	rddreg [dreg:$0x0];
	s1 =	srdreg.scid  }
0x2: {  	s2 =	rddreg [dreg:$0x1];
	s0 =	stileid.u32;
	s21 =	sand.u32 $0x1, s1  }
0x3: {  	s20 =	rddreg [dreg:$0x2];
	s4 =	sshll.u32 s0, $0xA;
	s5 =	sshll.u32 s21, $0x9  }
0x4: {  	s3 =	simm.s32 $0x0;
	s1 =	rddreg [dreg:$0x3];
	s15 =	sor.u32 s5, s4  }
0x5: {  	[smem:$0x7FF] =	sst s3;
	s4 =	sshrl.u32 s15, $0x3  }
0x6: {  	_ =	strace $0x80000047;
	s5 =	simm.s32 $0x4;
	s4 =	sadd.s32 s10, s4  }
0x7: {  	[tilespmem:s3], [sflag:$0x4] =	stream.linear.gather [hbm4b:s4+s3], $0x80, $0x38;
	[tilespmem:$0x8200] =	vst v63  }
0x8: {  	s18 =	sor.u32 $0x80, s15;
	_ =	swait.ge [sflag:s5], $0x80  }
0x9: {  	s6 =	sshrl.u32 s18, $0x3;
	[sflag:s5] =	ssyncset.done $0x0  }
0xa: {  	s7 =	simm.s32 $0x80;
	s6 =	sadd.s32 s10, s6;
	[sflag:s5] =	ssyncadd.s32 $0xFFFFFF80  }
0xb: {  	[tilespmem:s7], [sflag:$0x4] =	stream.linear.gather [hbm4b:s6+s3], $0x80, $0x38;
	[tilespmem:$0x8200] =	vst v63  }
0xc: {  	s19 =	sor.u32 $0x100, s15;
	_ =	swait.ge [sflag:s5], $0x80  }
0xd: {  	s8 =	sshrl.u32 s19, $0x3;
	[sflag:s5] =	ssyncset.done $0x0  }
0xe: {  	s9 =	simm.s32 $0x100;
	s8 =	sadd.s32 s10, s8;
	[sflag:s5] =	ssyncadd.s32 $0xFFFFFF80  }
0xf: {  	[tilespmem:s9], [sflag:$0x4] =	stream.linear.gather [hbm4b:s8+s3], $0x80, $0x38;
	[tilespmem:$0x8200] =	vst v63  }
0x10: {  	s22 =	sor.u32 $0x180, s15;
	_ =	swait.ge [sflag:s5], $0x80  }
0x11: {  	s11 =	sshrl.u32 s22, $0x3;
	[sflag:s5] =	ssyncset.done $0x0  }
0x12: {  	s10 =	sadd.s32 s10, s11;
	s11 =	simm.s32 $0x180;
	[sflag:s5] =	ssyncadd.s32 $0xFFFFFF80  }
0x13: {  	[tilespmem:s11], [sflag:$0x4] =	stream.linear.gather [hbm4b:s10+s3], $0x80, $0x38;
	[tilespmem:$0x8200] =	vst v63  }
0x14: {  	_ =	swait.ge [sflag:s5], $0x80  }
0x15: {  	[sflag:s5] =	ssyncset.done $0x0  }
0x16: {  	s12 =	simm.s32 $0x200;
	[sflag:s5] =	ssyncadd.s32 $0xFFFFFF80  }
0x17: {  	[tilespmem:s12], [sflag:$0x1] =	stream.indirect.gather [hbm4b:s2+s7], $0x80, s3, s7, $0xb8;
	[tilespmem:$0x8200] =	vst v63  }
0x18: {  	s13 =	simm.s32 $0x4200;
	s14 =	simm.s32 $0x1  }
0x19: {  	[tilespmem:s13], [sflag:$0x2] =	stream.indirect.gather [hbm4b:s2+s7], $0x80, s7, s7, $0xb8;
	[tilespmem:$0x8200] =	vst v63  }
0x1a: {  	_ =	swait.ge [sflag:s14], $0x4000  }
0x1b: {  	s15 =	sshll.u32 s15, $0x4;
	[sflag:s14] =	ssyncset.done $0x0  }
0x1c: {  	s16 =	sadd.s32 s20, s15;
	s15 =	simm.s32 $0x3;
	[sflag:s14] =	ssyncadd.s32 $0xFFFFC000  }
0x1d: {  	[hbm4b:s16+s3] =	stream.linear.scatter [tilespmem:s12], [sflag:$0x3], $0x4000, $0x38;
	[tilespmem:$0x8200] =	vst v63  }
0x1e: {  	_ =	swait.ge [sflag:s15], $0x4000  }
0x1f: {  	[sflag:s15] =	ssyncset.done $0x0  }
0x20: {  	s17 =	simm.s32 $0x2;
	[sflag:s15] =	ssyncadd.s32 $0xFFFFC000  }
0x21: {  	[tilespmem:s12], [sflag:$0x1] =	stream.indirect.gather [hbm4b:s2+s7], $0x80, s9, s7, $0xb8;
	[tilespmem:$0x8200] =	vst v63  }
0x22: {  	_ =	swait.ge [sflag:s17], $0x4000  }
0x23: {  	s18 =	sshll.u32 s18, $0x4;
	[sflag:s17] =	ssyncset.done $0x0  }
0x24: {  	s18 =	sadd.s32 s20, s18;
	[sflag:s17] =	ssyncadd.s32 $0xFFFFC000  }
0x25: {  	[hbm4b:s18+s3] =	stream.linear.scatter [tilespmem:s13], [sflag:$0x3], $0x4000, $0x38;
	[tilespmem:$0x8200] =	vst v63  }
0x26: {  	_ =	swait.ge [sflag:s15], $0x4000  }
0x27: {  	[sflag:s15] =	ssyncset.done $0x0  }
0x28: {  	[sflag:s15] =	ssyncadd.s32 $0xFFFFC000  }
0x29: {  	[tilespmem:s13], [sflag:$0x2] =	stream.indirect.gather [hbm4b:s2+s7], $0x80, s11, s7, $0xb8;
	[tilespmem:$0x8200] =	vst v63  }
0x2a: {  	_ =	swait.ge [sflag:s14], $0x4000  }
0x2b: {  	s21 =	ssub.s32 $0x2, s21;
	s19 =	sshll.u32 s19, $0x4;
	[sflag:s14] =	ssyncset.done $0x0  }
0x2c: {  	s31 =	sshrl.u32 s21, $0x1;
	s19 =	sadd.s32 s20, s19;
	[sflag:s14] =	ssyncadd.s32 $0xFFFFC000  }
0x2d: {  	[hbm4b:s19+s3] =	stream.linear.scatter [tilespmem:s12], [sflag:$0x3], $0x4000, $0x38;
	[tilespmem:$0x8200] =	vst v63  }
0x2e: {  	s21 =	ssub.s32 s21, s31;
	_ =	swait.ge [sflag:s17], $0x4000  }
0x2f: {  	s22 =	sshll.u32 s22, $0x4;
	s21 =	smax.u32 s21, $0x1;
	[sflag:s17] =	ssyncset.done $0x0  }
0x30: {  	s20 =	sadd.s32 s20, s22;
	p0 =	sne.s32 s21, $0x1;
	[sflag:s17] =	ssyncadd.s32 $0xFFFFC000  }
0x31: {  	[hbm4b:s20+s3] =	stream.linear.scatter [tilespmem:s13], [sflag:$0x3], $0x4000, $0x38;
	[tilespmem:$0x8200] =	vst v63  }
.Ltmp0:
0x32: {  	_ =	swait.ge [sflag:s15], $0x4000;
	(pc) =	sbr.rel @!p0 .LBB2_2-.Ltmp0, $4  }
0x33: {  	[sflag:s15] =	ssyncset.done $0x0  }
0x34: {  	[sflag:s15] =	ssyncadd.s32 $0xFFFFC000  }
0x35: {  	_ =	swait.ge [sflag:s15], $0x4000  }
0x36: {  	s21 =	sadd.s32 $0xFFFFFFFF, s21;
	[sflag:s15] =	ssyncset.done $0x0  }
.LBB2_1:
0x37: {  	p0 =	sne.s32 s21, $0x1;
	s21 =	sadd.s32 $0xFFFFFFFF, s21;
	[sflag:s15] =	ssyncadd.s32 $0xFFFFC000  }
0x38: {  	[tilespmem:s3], [sflag:$0x4] =	stream.linear.gather [hbm4b:s4+s3], $0x80, $0x38;
	[tilespmem:$0x8200] =	vst v63  }
0x39: {  	_ =	swait.ge [sflag:s5], $0x80  }
0x3a: {  	[sflag:s5] =	ssyncset.done $0x0  }
0x3b: {  	[sflag:s5] =	ssyncadd.s32 $0xFFFFFF80  }
0x3c: {  	[tilespmem:s7], [sflag:$0x4] =	stream.linear.gather [hbm4b:s6+s3], $0x80, $0x38;
	[tilespmem:$0x8200] =	vst v63  }
0x3d: {  	_ =	swait.ge [sflag:s5], $0x80  }
0x3e: {  	[sflag:s5] =	ssyncset.done $0x0  }
0x3f: {  	[sflag:s5] =	ssyncadd.s32 $0xFFFFFF80  }
0x40: {  	[tilespmem:s9], [sflag:$0x4] =	stream.linear.gather [hbm4b:s8+s3], $0x80, $0x38;
	[tilespmem:$0x8200] =	vst v63  }
0x41: {  	_ =	swait.ge [sflag:s5], $0x80  }
0x42: {  	[sflag:s5] =	ssyncset.done $0x0  }
0x43: {  	[sflag:s5] =	ssyncadd.s32 $0xFFFFFF80  }
0x44: {  	[tilespmem:s11], [sflag:$0x4] =	stream.linear.gather [hbm4b:s10+s3], $0x80, $0x38;
	[tilespmem:$0x8200] =	vst v63  }
0x45: {  	_ =	swait.ge [sflag:s5], $0x80  }
0x46: {  	[sflag:s5] =	ssyncset.done $0x0  }
0x47: {  	[sflag:s5] =	ssyncadd.s32 $0xFFFFFF80  }
0x48: {  	[tilespmem:s12], [sflag:$0x1] =	stream.indirect.gather [hbm4b:s2+s7], $0x80, s3, s7, $0xb8;
	[tilespmem:$0x8200] =	vst v63  }
0x49: {  	_ = 	snop  }
0x4a: {  	[tilespmem:s13], [sflag:$0x2] =	stream.indirect.gather [hbm4b:s2+s7], $0x80, s7, s7, $0xb8;
	[tilespmem:$0x8200] =	vst v63  }
0x4b: {  	_ =	swait.ge [sflag:s14], $0x4000  }
0x4c: {  	[sflag:s14] =	ssyncset.done $0x0  }
0x4d: {  	[sflag:s14] =	ssyncadd.s32 $0xFFFFC000  }
0x4e: {  	[hbm4b:s16+s3] =	stream.linear.scatter [tilespmem:s12], [sflag:$0x3], $0x4000, $0x38;
	[tilespmem:$0x8200] =	vst v63  }
0x4f: {  	_ =	swait.ge [sflag:s15], $0x4000  }
0x50: {  	[sflag:s15] =	ssyncset.done $0x0  }
0x51: {  	[sflag:s15] =	ssyncadd.s32 $0xFFFFC000  }
0x52: {  	[tilespmem:s12], [sflag:$0x1] =	stream.indirect.gather [hbm4b:s2+s7], $0x80, s9, s7, $0xb8;
	[tilespmem:$0x8200] =	vst v63  }
0x53: {  	_ =	swait.ge [sflag:s17], $0x4000  }
0x54: {  	[sflag:s17] =	ssyncset.done $0x0  }
0x55: {  	[sflag:s17] =	ssyncadd.s32 $0xFFFFC000  }
0x56: {  	[hbm4b:s18+s3] =	stream.linear.scatter [tilespmem:s13], [sflag:$0x3], $0x4000, $0x38;
	[tilespmem:$0x8200] =	vst v63  }
0x57: {  	_ =	swait.ge [sflag:s15], $0x4000  }
0x58: {  	[sflag:s15] =	ssyncset.done $0x0  }
0x59: {  	[sflag:s15] =	ssyncadd.s32 $0xFFFFC000  }
0x5a: {  	[tilespmem:s13], [sflag:$0x2] =	stream.indirect.gather [hbm4b:s2+s7], $0x80, s11, s7, $0xb8;
	[tilespmem:$0x8200] =	vst v63  }
0x5b: {  	_ =	swait.ge [sflag:s14], $0x4000  }
0x5c: {  	[sflag:s14] =	ssyncset.done $0x0  }
0x5d: {  	[sflag:s14] =	ssyncadd.s32 $0xFFFFC000  }
0x5e: {  	[hbm4b:s19+s3] =	stream.linear.scatter [tilespmem:s12], [sflag:$0x3], $0x4000, $0x38;
	[tilespmem:$0x8200] =	vst v63  }
0x5f: {  	_ =	swait.ge [sflag:s17], $0x4000  }
0x60: {  	[sflag:s17] =	ssyncset.done $0x0  }
0x61: {  	[sflag:s17] =	ssyncadd.s32 $0xFFFFC000  }
0x62: {  	[hbm4b:s20+s3] =	stream.linear.scatter [tilespmem:s13], [sflag:$0x3], $0x4000, $0x38;
	[tilespmem:$0x8200] =	vst v63  }
.Ltmp1:
0x63: {  	_ =	swait.ge [sflag:s15], $0x4000;
	(pc) =	sbr.rel @p0 .LBB2_1-.Ltmp1, $4  }
0x64: {  	[sflag:s15] =	ssyncset.done $0x0  }
0x65: {  	[sflag:s15] =	ssyncadd.s32 $0xFFFFC000  }
0x66: {  	_ =	swait.ge [sflag:s15], $0x4000  }
0x67: {  	[sflag:s15] =	ssyncset.done $0x0  }
.LBB2_2:
0x68: {  	[sflag:s15] =	ssyncadd.s32 $0xFFFFC000  }
0x69: {  	_ =	sfence.sel $0x180000  }
0x6a: {  	[bflag:$0x0] =	sbarrier.arrive $0xFFFF  }
0x6b: {  	p0 =	sne.s32 s0, $0x0;
	_ =	strace $0x90000047  }
0x6c: {  	s0 =	sadd.s32 @!p0 $0x100000, s1;
	[bflag:$0x2] =	sbarrier.arrive $0xFFFF  }
0x6d: {  	[sflag:s0] =	ssyncadd.tile.s32 @!p0 $0x1;
	_ =	shalt  }
.Lfunc_end2:
_tile_overlayer_lowered:
.L_overlay_start_2:
0x6e: {  	(tag) =	ssettag $0x2  }
0x6f: {  	s0 =	rddreg [dreg:$0x0];
	s2 =	stileid.u32  }
0x70: {  	s1 =	rddreg [dreg:$0x1];
	p0 =	sne.s32 s2, $0x0  }
0x71: {  	s3 =	rddreg [dreg:$0x2];
	[bflag:$0x3] =	sbarrier.arrive $0xFFFF;
	s2 =	simm.s32 @!p0 $0x1C04  }
0x72: {  	[timem:s3], [sflag:s2] =	dma.local @!p0 [hbm:s0], s1  }
0x73: {  	s0 =	simm.s32 @!p0 $0x4  }
0x74: {  	_ =	swait.ge @!p0 [sflag:s0], s1  }
0x75: {  	s1 =	ssub.s32 @!p0 $0x0, s1;
	[sflag:s0] =	ssyncset.done @!p0 $0x0  }
0x76: {  	[sflag:s0] =	ssyncadd.s32 @!p0 s1  }
0x77: {  	[bflag:$0x3] =	sbarrier.arrive $0xFFFF  }
0x78: {  	_ =	shalt  }

</sc_bundles>
